<compile_context>
chip_gen: v7x
topology: tpu7x:2x2x1
jax: 0.10.2.dev20260603
libtpu: 0.0.44.dev20260713+nightly
codegen_flags: <defaults>
</compile_context>

<pallas_src>
import functools

import jax
import jax.numpy as jnp
from jax import lax
from jax.experimental import pallas as pl
from jax.experimental.pallas import tpu as pltpu
from jax.experimental.pallas import tpu_sc as plsc

_NC = 2
_NS = 16
_NW = _NC * _NS
_L = 16


@functools.lru_cache(maxsize=None)
def _build(n_rows, n_cols, dtype_name):
    dtype = jnp.dtype(dtype_name)
    chunk = 64
    rows_per_w = n_rows // _NW
    n_chunks = rows_per_w // chunk
    n_jb = n_cols // _L
    chunk_elems = chunk * n_cols

    mesh = plsc.VectorSubcoreMesh(core_axis_name="c", subcore_axis_name="s")

    @functools.partial(
        pl.kernel,
        out_type=jax.ShapeDtypeStruct((n_rows * n_cols,), dtype),
        mesh=mesh,
        compiler_params=pltpu.CompilerParams(
            use_tc_tiling_on_sc=False, needs_layout_passes=False
        ),
        scratch_types=[
            pltpu.VMEM((n_cols,), jnp.int32),
            pltpu.VMEM((chunk_elems,), dtype),
            pltpu.VMEM((chunk_elems,), dtype),
        ],
    )
    def reorder(x_hbm, attr_hbm, out_hbm, attr_v, in_v, res_v):
        wid = lax.axis_index("s") * _NC + lax.axis_index("c")
        elem0 = wid * rows_per_w * n_cols
        pltpu.sync_copy(attr_hbm, attr_v)
        idx_vecs = [attr_v[pl.ds(jb * _L, _L)] for jb in range(n_jb)]
        lane = jnp.arange(_L, dtype=jnp.int32)

        @pl.loop(0, n_chunks)
        def _chunk_loop(ci):
            base = elem0 + ci * chunk_elems
            pltpu.sync_copy(x_hbm.at[pl.ds(base, chunk_elems)], in_v)

            @pl.loop(0, chunk)
            def _row_loop(r):
                roff = jnp.full((_L,), r * n_cols, dtype=jnp.int32)
                for jb in range(n_jb):
                    vals = plsc.load_gather(in_v, [roff + idx_vecs[jb]])
                    plsc.store_scatter(res_v, [roff + (jb * _L) + lane], vals)

            pltpu.sync_copy(res_v, out_hbm.at[pl.ds(base, chunk_elems)])

    return reorder


def kernel(x, attribution):
    n_rows, n_cols = x.shape
    fn = _build(n_rows, n_cols, str(x.dtype))
    out = fn(x.reshape(-1), attribution.astype(jnp.int32))
    return out.reshape(n_rows, n_cols)

# --- scband reference (transcript-rebuilt; emitter-appended) ---
"""Pipeline reference for scband-reorder-55336358643383 (READ-ONLY COPY).

The authoritative reference and input builder live on the scoring server;
editing this copy changes nothing except your own understanding.
"""

import jax, jax.numpy as jnp
import numpy as np


def setup_inputs(seed: int = 0) -> dict:
    key = jax.random.key(seed)
    x = jax.random.normal(key, (16384, 256), dtype=jnp.float32)
    # attribution: column permutation (reversed order), matching init_kwargs
    attribution = jnp.arange(255, -1, -1, dtype=jnp.int32)
    return {"x": x, "attribution": attribution}


def reference(x, attribution):
    # Faithful translation of: return x[:, self.attribution]
    return jnp.take(x, attribution, axis=1)

if __name__ == "__main__":
    import jax
    _d = setup_inputs()
    print(jax.jit(kernel)(*tuple(_d.values())))

</pallas_src>

<mosaic_0001>
#map = affine_map<(d0, d1) -> (0)>
module attributes {stable_mosaic.version = 14 : i64} {
  func.func @reorder(%arg0: i32, %arg1: i32, %arg2: memref<4194304xf32, #tpu.memory_space<hbm>>, %arg3: memref<256xi32, #tpu.memory_space<hbm>>, %arg4: memref<4194304xf32, #tpu.memory_space<hbm>>, %arg5: memref<256xi32, #tpu.memory_space<vmem>>, %arg6: memref<16384xf32, #tpu.memory_space<vmem>>, %arg7: memref<16384xf32, #tpu.memory_space<vmem>>) attributes {dimension_semantics = [#tpu.dimension_semantics<core_parallel>, #tpu.dimension_semantics<subcore_parallel>], iteration_bounds = array<i64: 2, 16>, scalar_prefetch = 0 : i64, scratch_operands = 3 : i64, tpu.core_type = #tpu.core_type<sc_vector_subcore>, window_params = [{transform_indices = #map}, {transform_indices = #map}, {transform_indices = #map}]} {
    %mul3A = arith.constant 2 : i32
    %mul3A_0 = arith.muli %arg1, %mul3A : i32
    %add3A = arith.addi %mul3A_0, %arg0 : i32
    %mul3A_1 = arith.constant 512 : i32
    %mul3A_2 = arith.muli %add3A, %mul3A_1 : i32
    %mul3A_3 = arith.constant 256 : i32
    %mul3A_4 = arith.muli %mul3A_2, %mul3A_3 : i32
    "tpu.region"() ({
      %run_scoped3A = tpu.sem_alloc : memref<!tpu.dma_semaphore, #tpu.memory_space<semaphore_mem>>
      tpu.enqueue_dma source(%arg3 : memref<256xi32, #tpu.memory_space<hbm>>) target(%arg5 : memref<256xi32, #tpu.memory_space<vmem>>) target_semaphore(%run_scoped3A : memref<!tpu.dma_semaphore, #tpu.memory_space<semaphore_mem>>)
      tpu.wait_dma2 semaphore(%run_scoped3A : memref<!tpu.dma_semaphore, #tpu.memory_space<semaphore_mem>>) src(%arg3 : memref<256xi32, #tpu.memory_space<hbm>>) dst(%arg5 : memref<256xi32, #tpu.memory_space<vmem>>)
      tpu.yield
    }) : () -> ()
    %get3A = arith.constant 0 : index
    %get3A_5 = tpu.vector_load %arg5[%get3A] {strides = array<i32>} : memref<256xi32, #tpu.memory_space<vmem>>, vector<16xi32>,
    %get3A_6 = arith.constant 16 : index
    %get3A_7 = tpu.vector_load %arg5[%get3A_6] {strides = array<i32>} : memref<256xi32, #tpu.memory_space<vmem>>, vector<16xi32>,
    %get3A_8 = arith.constant 32 : index
    %get3A_9 = tpu.vector_load %arg5[%get3A_8] {strides = array<i32>} : memref<256xi32, #tpu.memory_space<vmem>>, vector<16xi32>,
    %get3A_10 = arith.constant 48 : index
    %get3A_11 = tpu.vector_load %arg5[%get3A_10] {strides = array<i32>} : memref<256xi32, #tpu.memory_space<vmem>>, vector<16xi32>,
    %get3A_12 = arith.constant 64 : index
    %get3A_13 = tpu.vector_load %arg5[%get3A_12] {strides = array<i32>} : memref<256xi32, #tpu.memory_space<vmem>>, vector<16xi32>,
    %get3A_14 = arith.constant 80 : index
    %get3A_15 = tpu.vector_load %arg5[%get3A_14] {strides = array<i32>} : memref<256xi32, #tpu.memory_space<vmem>>, vector<16xi32>,
    %get3A_16 = arith.constant 96 : index
    %get3A_17 = tpu.vector_load %arg5[%get3A_16] {strides = array<i32>} : memref<256xi32, #tpu.memory_space<vmem>>, vector<16xi32>,
    %get3A_18 = arith.constant 112 : index
    %get3A_19 = tpu.vector_load %arg5[%get3A_18] {strides = array<i32>} : memref<256xi32, #tpu.memory_space<vmem>>, vector<16xi32>,
    %get3A_20 = arith.constant 128 : index
    %get3A_21 = tpu.vector_load %arg5[%get3A_20] {strides = array<i32>} : memref<256xi32, #tpu.memory_space<vmem>>, vector<16xi32>,
    %get3A_22 = arith.constant 144 : index
    %get3A_23 = tpu.vector_load %arg5[%get3A_22] {strides = array<i32>} : memref<256xi32, #tpu.memory_space<vmem>>, vector<16xi32>,
    %get3A_24 = arith.constant 160 : index
    %get3A_25 = tpu.vector_load %arg5[%get3A_24] {strides = array<i32>} : memref<256xi32, #tpu.memory_space<vmem>>, vector<16xi32>,
    %get3A_26 = arith.constant 176 : index
    %get3A_27 = tpu.vector_load %arg5[%get3A_26] {strides = array<i32>} : memref<256xi32, #tpu.memory_space<vmem>>, vector<16xi32>,
    %get3A_28 = arith.constant 192 : index
    %get3A_29 = tpu.vector_load %arg5[%get3A_28] {strides = array<i32>} : memref<256xi32, #tpu.memory_space<vmem>>, vector<16xi32>,
    %get3A_30 = arith.constant 208 : index
    %get3A_31 = tpu.vector_load %arg5[%get3A_30] {strides = array<i32>} : memref<256xi32, #tpu.memory_space<vmem>>, vector<16xi32>,
    %get3A_32 = arith.constant 224 : index
    %get3A_33 = tpu.vector_load %arg5[%get3A_32] {strides = array<i32>} : memref<256xi32, #tpu.memory_space<vmem>>, vector<16xi32>,
    %get3A_34 = arith.constant 240 : index
    %get3A_35 = tpu.vector_load %arg5[%get3A_34] {strides = array<i32>} : memref<256xi32, #tpu.memory_space<vmem>>, vector<16xi32>,
    %iota3A = tpu.iota {dimensions = array<i32: 0>} : vector<16xi32>
    %scan3A = arith.constant 0 : i32
    %scan3A_36 = arith.constant 8 : i32
    %scan3A_37 = arith.addi %scan3A, %scan3A_36 : i32
    %scan3A_38 = arith.constant 1 : i32
    scf.for %scan3A_40 = %scan3A to %scan3A_37 step %scan3A_38  : i32 {
      %mul3A_41 = arith.constant 1 : i32
      %mul3A_42 = arith.muli %scan3A_40, %mul3A_41 : i32
      %add3A_43 = arith.constant 0 : i32
      %add3A_44 = arith.addi %add3A_43, %mul3A_42 : i32
      %mul3A_45 = arith.constant 16384 : i32
      %mul3A_46 = arith.muli %add3A_44, %mul3A_45 : i32
      %add3A_47 = arith.addi %mul3A_4, %mul3A_46 : i32
      "tpu.region"() ({
        %run_scoped3A = tpu.sem_alloc : memref<!tpu.dma_semaphore, #tpu.memory_space<semaphore_mem>>
        %dma_start3A = tpu.memref_slice %arg2[%add3A_47] : memref<4194304xf32, #tpu.memory_space<hbm>> -> memref<16384xf32, #tpu.memory_space<hbm>>
        %dma_start3A_53 = tpu.memref_slice %arg2[%add3A_47] : memref<4194304xf32, #tpu.memory_space<hbm>> -> memref<16384xf32, #tpu.memory_space<hbm>>
        tpu.enqueue_dma source(%dma_start3A_53 : memref<16384xf32, #tpu.memory_space<hbm>>) target(%arg6 : memref<16384xf32, #tpu.memory_space<vmem>>) target_semaphore(%run_scoped3A : memref<!tpu.dma_semaphore, #tpu.memory_space<semaphore_mem>>)
        %dma_wait3A = tpu.memref_slice %arg2[%add3A_47] : memref<4194304xf32, #tpu.memory_space<hbm>> -> memref<16384xf32, #tpu.memory_space<hbm>>
        %dma_wait3A_54 = tpu.memref_slice %arg2[%add3A_47] : memref<4194304xf32, #tpu.memory_space<hbm>> -> memref<16384xf32, #tpu.memory_space<hbm>>
        tpu.wait_dma2 semaphore(%run_scoped3A : memref<!tpu.dma_semaphore, #tpu.memory_space<semaphore_mem>>) src(%dma_wait3A_54 : memref<16384xf32, #tpu.memory_space<hbm>>) dst(%arg6 : memref<16384xf32, #tpu.memory_space<vmem>>)
        tpu.yield
      }) : () -> ()
      %scan3A_48 = arith.constant 0 : i32
      %scan3A_49 = arith.constant 64 : i32
      %scan3A_50 = arith.addi %scan3A_48, %scan3A_49 : i32
      %scan3A_51 = arith.constant 1 : i32
      scf.for %scan3A_53 = %scan3A_48 to %scan3A_50 step %scan3A_51  : i32 {
        %mul3A_54 = arith.constant 1 : i32
        %mul3A_55 = arith.muli %scan3A_53, %mul3A_54 : i32
        %add3A_56 = arith.constant 0 : i32
        %add3A_57 = arith.addi %add3A_56, %mul3A_55 : i32
        %mul3A_58 = arith.constant 256 : i32
        %mul3A_59 = arith.muli %add3A_57, %mul3A_58 : i32
        %broadcast_in_dim3A = vector.broadcast %mul3A_59 : i32 to vector<16xi32>
        %add3A_60 = arith.addi %broadcast_in_dim3A, %get3A_5 : vector<16xi32>
        %gather3A = tpu.vector_load_idx %arg6[%add3A_60] : memref<16384xf32, #tpu.memory_space<vmem>>[vector<16xi32>], vector<16xf32>,
        %add3A_61 = arith.constant 0 : i32
        %add3A_62 = vector.broadcast %add3A_61 : i32 to vector<16xi32>
        %add3A_63 = arith.addi %broadcast_in_dim3A, %add3A_62 : vector<16xi32>
        %add3A_64 = arith.addi %add3A_63, %iota3A : vector<16xi32>
        tpu.vector_store_idx %arg7[%add3A_64], %gather3A : memref<16384xf32, #tpu.memory_space<vmem>>[vector<16xi32>], vector<16xf32>,
        %add3A_65 = arith.addi %broadcast_in_dim3A, %get3A_7 : vector<16xi32>
        %gather3A_66 = tpu.vector_load_idx %arg6[%add3A_65] : memref<16384xf32, #tpu.memory_space<vmem>>[vector<16xi32>], vector<16xf32>,
        %add3A_67 = arith.constant 16 : i32
        %add3A_68 = vector.broadcast %add3A_67 : i32 to vector<16xi32>
        %add3A_69 = arith.addi %broadcast_in_dim3A, %add3A_68 : vector<16xi32>
        %add3A_70 = arith.addi %add3A_69, %iota3A : vector<16xi32>
        tpu.vector_store_idx %arg7[%add3A_70], %gather3A_66 : memref<16384xf32, #tpu.memory_space<vmem>>[vector<16xi32>], vector<16xf32>,
        %add3A_71 = arith.addi %broadcast_in_dim3A, %get3A_9 : vector<16xi32>
        %gather3A_72 = tpu.vector_load_idx %arg6[%add3A_71] : memref<16384xf32, #tpu.memory_space<vmem>>[vector<16xi32>], vector<16xf32>,
        %add3A_73 = arith.constant 32 : i32
        %add3A_74 = vector.broadcast %add3A_73 : i32 to vector<16xi32>
        %add3A_75 = arith.addi %broadcast_in_dim3A, %add3A_74 : vector<16xi32>
        %add3A_76 = arith.addi %add3A_75, %iota3A : vector<16xi32>
        tpu.vector_store_idx %arg7[%add3A_76], %gather3A_72 : memref<16384xf32, #tpu.memory_space<vmem>>[vector<16xi32>], vector<16xf32>,
        %add3A_77 = arith.addi %broadcast_in_dim3A, %get3A_11 : vector<16xi32>
        %gather3A_78 = tpu.vector_load_idx %arg6[%add3A_77] : memref<16384xf32, #tpu.memory_space<vmem>>[vector<16xi32>], vector<16xf32>,
        %add3A_79 = arith.constant 48 : i32
        %add3A_80 = vector.broadcast %add3A_79 : i32 to vector<16xi32>
        %add3A_81 = arith.addi %broadcast_in_dim3A, %add3A_80 : vector<16xi32>
        %add3A_82 = arith.addi %add3A_81, %iota3A : vector<16xi32>
        tpu.vector_store_idx %arg7[%add3A_82], %gather3A_78 : memref<16384xf32, #tpu.memory_space<vmem>>[vector<16xi32>], vector<16xf32>,
        %add3A_83 = arith.addi %broadcast_in_dim3A, %get3A_13 : vector<16xi32>
        %gather3A_84 = tpu.vector_load_idx %arg6[%add3A_83] : memref<16384xf32, #tpu.memory_space<vmem>>[vector<16xi32>], vector<16xf32>,
        %add3A_85 = arith.constant 64 : i32
        %add3A_86 = vector.broadcast %add3A_85 : i32 to vector<16xi32>
        %add3A_87 = arith.addi %broadcast_in_dim3A, %add3A_86 : vector<16xi32>
        %add3A_88 = arith.addi %add3A_87, %iota3A : vector<16xi32>
        tpu.vector_store_idx %arg7[%add3A_88], %gather3A_84 : memref<16384xf32, #tpu.memory_space<vmem>>[vector<16xi32>], vector<16xf32>,
        %add3A_89 = arith.addi %broadcast_in_dim3A, %get3A_15 : vector<16xi32>
        %gather3A_90 = tpu.vector_load_idx %arg6[%add3A_89] : memref<16384xf32, #tpu.memory_space<vmem>>[vector<16xi32>], vector<16xf32>,
        %add3A_91 = arith.constant 80 : i32
        %add3A_92 = vector.broadcast %add3A_91 : i32 to vector<16xi32>
        %add3A_93 = arith.addi %broadcast_in_dim3A, %add3A_92 : vector<16xi32>
        %add3A_94 = arith.addi %add3A_93, %iota3A : vector<16xi32>
        tpu.vector_store_idx %arg7[%add3A_94], %gather3A_90 : memref<16384xf32, #tpu.memory_space<vmem>>[vector<16xi32>], vector<16xf32>,
        %add3A_95 = arith.addi %broadcast_in_dim3A, %get3A_17 : vector<16xi32>
        %gather3A_96 = tpu.vector_load_idx %arg6[%add3A_95] : memref<16384xf32, #tpu.memory_space<vmem>>[vector<16xi32>], vector<16xf32>,
        %add3A_97 = arith.constant 96 : i32
        %add3A_98 = vector.broadcast %add3A_97 : i32 to vector<16xi32>
        %add3A_99 = arith.addi %broadcast_in_dim3A, %add3A_98 : vector<16xi32>
        %add3A_100 = arith.addi %add3A_99, %iota3A : vector<16xi32>
        tpu.vector_store_idx %arg7[%add3A_100], %gather3A_96 : memref<16384xf32, #tpu.memory_space<vmem>>[vector<16xi32>], vector<16xf32>,
        %add3A_101 = arith.addi %broadcast_in_dim3A, %get3A_19 : vector<16xi32>
        %gather3A_102 = tpu.vector_load_idx %arg6[%add3A_101] : memref<16384xf32, #tpu.memory_space<vmem>>[vector<16xi32>], vector<16xf32>,
        %add3A_103 = arith.constant 112 : i32
        %add3A_104 = vector.broadcast %add3A_103 : i32 to vector<16xi32>
        %add3A_105 = arith.addi %broadcast_in_dim3A, %add3A_104 : vector<16xi32>
        %add3A_106 = arith.addi %add3A_105, %iota3A : vector<16xi32>
        tpu.vector_store_idx %arg7[%add3A_106], %gather3A_102 : memref<16384xf32, #tpu.memory_space<vmem>>[vector<16xi32>], vector<16xf32>,
        %add3A_107 = arith.addi %broadcast_in_dim3A, %get3A_21 : vector<16xi32>
        %gather3A_108 = tpu.vector_load_idx %arg6[%add3A_107] : memref<16384xf32, #tpu.memory_space<vmem>>[vector<16xi32>], vector<16xf32>,
        %add3A_109 = arith.constant 128 : i32
        %add3A_110 = vector.broadcast %add3A_109 : i32 to vector<16xi32>
        %add3A_111 = arith.addi %broadcast_in_dim3A, %add3A_110 : vector<16xi32>
        %add3A_112 = arith.addi %add3A_111, %iota3A : vector<16xi32>
        tpu.vector_store_idx %arg7[%add3A_112], %gather3A_108 : memref<16384xf32, #tpu.memory_space<vmem>>[vector<16xi32>], vector<16xf32>,
        %add3A_113 = arith.addi %broadcast_in_dim3A, %get3A_23 : vector<16xi32>
        %gather3A_114 = tpu.vector_load_idx %arg6[%add3A_113] : memref<16384xf32, #tpu.memory_space<vmem>>[vector<16xi32>], vector<16xf32>,
        %add3A_115 = arith.constant 144 : i32
        %add3A_116 = vector.broadcast %add3A_115 : i32 to vector<16xi32>
        %add3A_117 = arith.addi %broadcast_in_dim3A, %add3A_116 : vector<16xi32>
        %add3A_118 = arith.addi %add3A_117, %iota3A : vector<16xi32>
        tpu.vector_store_idx %arg7[%add3A_118], %gather3A_114 : memref<16384xf32, #tpu.memory_space<vmem>>[vector<16xi32>], vector<16xf32>,
        %add3A_119 = arith.addi %broadcast_in_dim3A, %get3A_25 : vector<16xi32>
        %gather3A_120 = tpu.vector_load_idx %arg6[%add3A_119] : memref<16384xf32, #tpu.memory_space<vmem>>[vector<16xi32>], vector<16xf32>,
        %add3A_121 = arith.constant 160 : i32
        %add3A_122 = vector.broadcast %add3A_121 : i32 to vector<16xi32>
        %add3A_123 = arith.addi %broadcast_in_dim3A, %add3A_122 : vector<16xi32>
        %add3A_124 = arith.addi %add3A_123, %iota3A : vector<16xi32>
        tpu.vector_store_idx %arg7[%add3A_124], %gather3A_120 : memref<16384xf32, #tpu.memory_space<vmem>>[vector<16xi32>], vector<16xf32>,
        %add3A_125 = arith.addi %broadcast_in_dim3A, %get3A_27 : vector<16xi32>
        %gather3A_126 = tpu.vector_load_idx %arg6[%add3A_125] : memref<16384xf32, #tpu.memory_space<vmem>>[vector<16xi32>], vector<16xf32>,
        %add3A_127 = arith.constant 176 : i32
        %add3A_128 = vector.broadcast %add3A_127 : i32 to vector<16xi32>
        %add3A_129 = arith.addi %broadcast_in_dim3A, %add3A_128 : vector<16xi32>
        %add3A_130 = arith.addi %add3A_129, %iota3A : vector<16xi32>
        tpu.vector_store_idx %arg7[%add3A_130], %gather3A_126 : memref<16384xf32, #tpu.memory_space<vmem>>[vector<16xi32>], vector<16xf32>,
        %add3A_131 = arith.addi %broadcast_in_dim3A, %get3A_29 : vector<16xi32>
        %gather3A_132 = tpu.vector_load_idx %arg6[%add3A_131] : memref<16384xf32, #tpu.memory_space<vmem>>[vector<16xi32>], vector<16xf32>,
        %add3A_133 = arith.constant 192 : i32
        %add3A_134 = vector.broadcast %add3A_133 : i32 to vector<16xi32>
        %add3A_135 = arith.addi %broadcast_in_dim3A, %add3A_134 : vector<16xi32>
        %add3A_136 = arith.addi %add3A_135, %iota3A : vector<16xi32>
        tpu.vector_store_idx %arg7[%add3A_136], %gather3A_132 : memref<16384xf32, #tpu.memory_space<vmem>>[vector<16xi32>], vector<16xf32>,
        %add3A_137 = arith.addi %broadcast_in_dim3A, %get3A_31 : vector<16xi32>
        %gather3A_138 = tpu.vector_load_idx %arg6[%add3A_137] : memref<16384xf32, #tpu.memory_space<vmem>>[vector<16xi32>], vector<16xf32>,
        %add3A_139 = arith.constant 208 : i32
        %add3A_140 = vector.broadcast %add3A_139 : i32 to vector<16xi32>
        %add3A_141 = arith.addi %broadcast_in_dim3A, %add3A_140 : vector<16xi32>
        %add3A_142 = arith.addi %add3A_141, %iota3A : vector<16xi32>
        tpu.vector_store_idx %arg7[%add3A_142], %gather3A_138 : memref<16384xf32, #tpu.memory_space<vmem>>[vector<16xi32>], vector<16xf32>,
        %add3A_143 = arith.addi %broadcast_in_dim3A, %get3A_33 : vector<16xi32>
        %gather3A_144 = tpu.vector_load_idx %arg6[%add3A_143] : memref<16384xf32, #tpu.memory_space<vmem>>[vector<16xi32>], vector<16xf32>,
        %add3A_145 = arith.constant 224 : i32
        %add3A_146 = vector.broadcast %add3A_145 : i32 to vector<16xi32>
        %add3A_147 = arith.addi %broadcast_in_dim3A, %add3A_146 : vector<16xi32>
        %add3A_148 = arith.addi %add3A_147, %iota3A : vector<16xi32>
        tpu.vector_store_idx %arg7[%add3A_148], %gather3A_144 : memref<16384xf32, #tpu.memory_space<vmem>>[vector<16xi32>], vector<16xf32>,
        %add3A_149 = arith.addi %broadcast_in_dim3A, %get3A_35 : vector<16xi32>
        %gather3A_150 = tpu.vector_load_idx %arg6[%add3A_149] : memref<16384xf32, #tpu.memory_space<vmem>>[vector<16xi32>], vector<16xf32>,
        %add3A_151 = arith.constant 240 : i32
        %add3A_152 = vector.broadcast %add3A_151 : i32 to vector<16xi32>
        %add3A_153 = arith.addi %broadcast_in_dim3A, %add3A_152 : vector<16xi32>
        %add3A_154 = arith.addi %add3A_153, %iota3A : vector<16xi32>
        tpu.vector_store_idx %arg7[%add3A_154], %gather3A_150 : memref<16384xf32, #tpu.memory_space<vmem>>[vector<16xi32>], vector<16xf32>,
      }
      %scan3A_52 = arith.constant 64 : i32
      "tpu.region"() ({
        %run_scoped3A = tpu.sem_alloc : memref<!tpu.dma_semaphore, #tpu.memory_space<semaphore_mem>>
        %dma_start3A = tpu.memref_slice %arg4[%add3A_47] : memref<4194304xf32, #tpu.memory_space<hbm>> -> memref<16384xf32, #tpu.memory_space<hbm>>
        %dma_start3A_53 = tpu.memref_slice %arg4[%add3A_47] : memref<4194304xf32, #tpu.memory_space<hbm>> -> memref<16384xf32, #tpu.memory_space<hbm>>
        tpu.enqueue_dma source(%arg7 : memref<16384xf32, #tpu.memory_space<vmem>>) target(%dma_start3A_53 : memref<16384xf32, #tpu.memory_space<hbm>>) target_semaphore(%run_scoped3A : memref<!tpu.dma_semaphore, #tpu.memory_space<semaphore_mem>>)
        %dma_wait3A = tpu.memref_slice %arg4[%add3A_47] : memref<4194304xf32, #tpu.memory_space<hbm>> -> memref<16384xf32, #tpu.memory_space<hbm>>
        %dma_wait3A_54 = tpu.memref_slice %arg4[%add3A_47] : memref<4194304xf32, #tpu.memory_space<hbm>> -> memref<16384xf32, #tpu.memory_space<hbm>>
        tpu.wait_dma2 semaphore(%run_scoped3A : memref<!tpu.dma_semaphore, #tpu.memory_space<semaphore_mem>>) src(%arg7 : memref<16384xf32, #tpu.memory_space<vmem>>) dst(%dma_wait3A_54 : memref<16384xf32, #tpu.memory_space<hbm>>)
        tpu.yield
      }) : () -> ()
    }
    %scan3A_39 = arith.constant 8 : i32
    return
  }
}

</mosaic_0001>

<sc_bundles>
// kernel: kernel.3.cloned.1.call-start
scs
__scs_entry_jumppad:
0x0: {  	(pc) =	sbr.rel $0x88, $3  }
0x1: {  	(tag) =	ssettag $0x0;
	lr =	simm.s32 $0x1  }
0x2: {  	[smem:$0x3F9F] =	sst lr;
	_ =	strace $0xD0000000  }
0x3: {  	_ = 	snop  }
0x4: {  	_ = 	snop  }
0x5: {  	_ = 	snop  }
0x6: {  	_ = 	snop  }
0x7: {  	_ = 	snop  }
__scs_overlays_trampoline_lowered:
0x8: {  	[smem:$0x3FAE] =	sst s0  }
0x9: {  	[smem:$0x3FAF] =	sst s1  }
0xa: {  	[smem:$0x3FB0] =	sst s2  }
0xb: {  	[smem:$0x3FB1] =	sst s3  }
0xc: {  	[smem:$0x3FB2] =	sst s4  }
0xd: {  	[smem:$0x3FB3] =	sst s5  }
0xe: {  	[smem:$0x3FB4] =	sst s6  }
0xf: {  	[smem:$0x3FB5] =	sst s7  }
0x10: {  	[smem:$0x3FB6] =	sst s8  }
0x11: {  	[smem:$0x3FB7] =	sst s9;
	s0 =	simm.s32 @!p0 $0x0  }
0x12: {  	s1 =	sld [smem:$0x3F9D];
	s0 =	simm.s32 @p0 $0x1  }
0x13: {  	[smem:$0x3FB8] =	sst s0;
	s0 =	simm.s32 @!p1 $0x0  }
0x14: {  	s2 =	sld [smem:$0x3F9C];
	s0 =	simm.s32 @p1 $0x1  }
0x15: {  	[smem:$0x3FB9] =	sst s0;
	s0 =	simm.s32 @!p2 $0x0  }
0x16: {  	s3 =	sld [smem:$0x3FDB];
	s0 =	simm.s32 @p2 $0x1  }
0x17: {  	s4 =	simm.s32 $0x1BF5;
	[smem:$0x3FBB] =	sst s0  }
0x18: {  	s0 =	sld [smem:$0x3F9E];
	_ =	swait.ge [sflag:s4], $0x0  }
0x19: {  	s7 =	sld [smem:$0x3F9F]  }
0x1a: {  	s8 =	sadd.s32 $0xFFFFE003, lr  }
0x1b: {  	s9 =	sadd.s32 $0xFFFFFEF7, lr;
	s5 =	simm.s32 $0xFFFFFFFF;
	p2 =	slt.u32 s8, $0xFFFFF086  }
0x1c: {  	p1 =	slt.u32 s9, $0xF7A;
	s5 =	simm.s32 @!p2 $0x0  }
0x1d: {  	s5 =	simm.s32 @p1 $0x1;
	p0 =	seq.s32 s7, s2  }
0x1e: {  	s7 =	smul.u32 @!p0 $0xF7A, s2;
	p2 =	seq.s32 @!p0 s5, $0x0  }
0x1f: {  	s9 =	smul.u32 $0xF7A, s1;
	s8 =	simm.s32 @!p0 $0x1BF5;
	p2 =	por !p2, p0  }
0x20: {  	[sflag:s8] =	ssyncset.s32 @!p0 $0xFFFFF086;
	s6 =	sadd.s32 @!p0 s3, s7;
	s7 =	simm.s32 @!p0 $0x108  }
0x21: {  	s3 =	sadd.s32 s3, s9;
	s6 =	sadd.s32 @!p0 $0x88, s6;
	s7 =	simm.s32 @p2 $0x1082  }
0x22: {  	[simem:s7], [sflag:s8] =	dma.local @!p0 [hbm:s6], $0xF7A  }
0x23: {  	s9 =	sor.u32 $0xD0000000, s2;
	s6 =	simm.s32 $0x108;
	_ =	swait.ge @!p0 [sflag:s8], $0x0  }
0x24: {  	s3 =	sadd.s32 $0x88, s3;
	s6 =	simm.s32 @!p1 $0x1082;
	[sflag:s4] =	ssyncset.s32 $0xFFFFF086  }
0x25: {  	[simem:s6], [sflag:s4] =	dma.local [hbm:s3], $0xF7A  }
0x26: {  	[smem:$0x3F9F] =	sst s1;
	(tag) =	ssettag s2;
	_ =	strace s9  }
0x27: {  	s1 =	sld [smem:$0x3FAF]  }
0x28: {  	s2 =	sld [smem:$0x3FB0]  }
0x29: {  	s4 =	sld [smem:$0x3FB2]  }
0x2a: {  	p0 =	seq.s32 s5, $0x0;
	s5 =	sld [smem:$0x3FB3]  }
0x2b: {  	s6 =	sld [smem:$0x3FB4]  }
0x2c: {  	s7 =	sld [smem:$0x3FB5]  }
0x2d: {  	s3 =	simm.s32 $0x108;
	s8 =	sld [smem:$0x3FB6]  }
0x2e: {  	s3 =	simm.s32 @!p0 $0x1082;
	s9 =	sld [smem:$0x3FB7]  }
0x2f: {  	lr =	sadd.s32 s0, s3;
	s0 =	sld [smem:$0x3FAE]  }
0x30: {  	s3 =	sld [smem:$0x3FB1]  }
0x31: {  	[smem:$0x3FBA] =	sst s10  }
0x32: {  	s10 =	sld [smem:$0x3FB8];
	_ =	sdelay $0x3  }
0x33: {  	p0 =	seq.s32 s10, $0x1;
	s10 =	sld [smem:$0x3FBA];
	_ =	sdelay $0x3  }
0x34: {  	[smem:$0x3FBA] =	sst s10  }
0x35: {  	s10 =	sld [smem:$0x3FB9];
	_ =	sdelay $0x3  }
0x36: {  	p1 =	seq.s32 s10, $0x1;
	s10 =	sld [smem:$0x3FBA];
	_ =	sdelay $0x3  }
0x37: {  	[smem:$0x3FBA] =	sst s10  }
0x38: {  	s10 =	sld [smem:$0x3FBB]  }
0x39: {  	_ = 	snop;
	(pc) =	sbr.ind lr, $3  }
0x3a: {  	_ = 	snop  }
0x3b: {  	_ = 	snop  }
0x3c: {  	p2 =	seq.s32 s10, $0x1;
	s10 =	sld [smem:$0x3FBA]  }
0x3d: {  	_ =	shalt  }
0x3e: {  	_ =	shalt  }
0x3f: {  	_ =	shalt  }
0x40: {  	_ =	shalt  }
0x41: {  	_ =	shalt  }
0x42: {  	_ =	shalt  }
0x43: {  	_ =	shalt  }
0x44: {  	_ =	shalt  }
0x45: {  	_ =	shalt  }
0x46: {  	_ =	shalt  }
0x47: {  	_ =	shalt  }
0x48: {  	_ =	shalt  }
0x49: {  	_ =	shalt  }
0x4a: {  	_ =	shalt  }
0x4b: {  	_ =	shalt  }
0x4c: {  	_ =	shalt  }
0x4d: {  	_ =	shalt  }
0x4e: {  	_ =	shalt  }
0x4f: {  	_ =	shalt  }
0x50: {  	_ =	shalt  }
0x51: {  	_ =	shalt  }
0x52: {  	_ =	shalt  }
0x53: {  	_ =	shalt  }
0x54: {  	_ =	shalt  }
0x55: {  	_ =	shalt  }
0x56: {  	_ =	shalt  }
0x57: {  	_ =	shalt  }
0x58: {  	_ =	shalt  }
0x59: {  	_ =	shalt  }
0x5a: {  	_ =	shalt  }
0x5b: {  	_ =	shalt  }
0x5c: {  	_ =	shalt  }
0x5d: {  	_ =	shalt  }
0x5e: {  	_ =	shalt  }
0x5f: {  	_ =	shalt  }
0x60: {  	_ =	shalt  }
0x61: {  	_ =	shalt  }
0x62: {  	_ =	shalt  }
0x63: {  	_ =	shalt  }
0x64: {  	_ =	shalt  }
0x65: {  	_ =	shalt  }
0x66: {  	_ =	shalt  }
0x67: {  	_ =	shalt  }
0x68: {  	_ =	shalt  }
0x69: {  	_ =	shalt  }
0x6a: {  	_ =	shalt  }
0x6b: {  	_ =	shalt  }
0x6c: {  	_ =	shalt  }
0x6d: {  	_ =	shalt  }
0x6e: {  	_ =	shalt  }
0x6f: {  	_ =	shalt  }
0x70: {  	_ =	shalt  }
0x71: {  	_ =	shalt  }
0x72: {  	_ =	shalt  }
0x73: {  	_ =	shalt  }
0x74: {  	_ =	shalt  }
0x75: {  	_ =	shalt  }
0x76: {  	_ =	shalt  }
0x77: {  	_ =	shalt  }
0x78: {  	_ =	shalt  }
0x79: {  	_ =	shalt  }
0x7a: {  	_ =	shalt  }
0x7b: {  	_ =	shalt  }
0x7c: {  	_ =	shalt  }
0x7d: {  	_ =	shalt  }
0x7e: {  	_ =	shalt  }
0x7f: {  	_ =	shalt  }
0x80: {  	_ =	shalt  }
0x81: {  	_ =	shalt  }
0x82: {  	_ =	shalt  }
0x83: {  	_ =	shalt  }
0x84: {  	_ =	shalt  }
0x85: {  	_ =	shalt  }
0x86: {  	_ =	shalt  }
0x87: {  	_ =	shalt  }
.Lfunc_end0:
.L_simem_size_0:
called_computation_lowered:
.L_overlay_start_0:
0x88: {  	s2 =	sld [smem:$0x3FD9]  }
0x89: {  	s3 =	sld [smem:$0x3FFE];
	_ =	sdelay $0x1  }
0x8a: {  	s1 =	srdreg.scid  }
0x8b: {  	s0 =	sand.u32 $0x1, s1  }
0x8c: {  	s17 =	sshll.u32 s0, $0xA;
	s2 =	sadd.s32 s3, s2  }
0x8d: {  	s2 =	sadd.s32 s2, s17  }
0x8e: {  	[smem:$0x3FC6] =	sst s2  }
0x8f: {  	_ = 	snop  }
0x90: {  	s2 =	sld [smem:$0x3FC8]  }
0x91: {  	s18 =	sld [smem:$0x3FD0];
	(tm) =	ssettm $0x1  }
0x92: {  	s4 =	sld [smem:$0x3FFB];
	_ =	sdelay $0x3  }
0x93: {  	_ =	strace s4  }
0x94: {  	s4 =	sld [smem:$0x3FFC];
	_ =	sdelay $0x3  }
0x95: {  	_ =	strace s4  }
0x96: {  	s4 =	sld [smem:$0x3FFD];
	_ =	sdelay $0x3  }
0x97: {  	_ =	strace s4  }
0x98: {  	_ =	strace $0x8FFFFFFF  }
0x99: {  	s19 =	sld [smem:$0x3FDB];
	_ =	sdelay $0x1  }
0x9a: {  	s5 =	simm.s32 $_scs_section_size  }
0x9b: {  	s6 =	simm.s32 $_size__tile_overlayer_lowered;
	s7 =	simm.s32 $_tile_overlayer_lowered  }
0x9c: {  	s22 =	simm.s32 $0x1BFF;
	s21 =	sshll.u32 s7, $0x1;
	s4 =	sadd.s32 s5, s19  }
0x9d: {  	s8 =	simm.s32 $0x0;
	s20 =	sshll.u32 s6, $0x1;
	s6 =	sadd.s32 s21, s4  }
0x9e: {  	[timem:s8], [sflag:s22] =	dma.local [hbm:s6], s20  }
0x9f: {  	_ =	swait.ge [sflag:s22], s20  }
0xa0: {  	s5 =	ssub.s32 $0x0, s20;
	[sflag:s22] =	ssyncset.done $0x0  }
0xa1: {  	[sflag:s22] =	ssyncadd.s32 s5;
	_ =	sdelay $0x1  }
0xa2: {  	s23 =	simm.s32 $0x1B8B  }
0xa3: {  	_ =	swait.ge [sflag:s23], $0x1  }
0xa4: {  	[sflag:s23] =	ssyncset.done $0x0  }
0xa5: {  	s25 =	simm.s32 $0x1B8E;
	s24 =	sld [smem:$0x3FFE];
	[sflag:s23] =	ssyncadd.s32 $0xFFFFFFFF  }
0xa6: {  	s26 =	simm.s32 $execute0_lowered;
	[smem:$0x3FD2] =	sst s25  }
0xa7: {  	s6 =	sshll.u32 s26, $0x1;
	_ =	strace $0x80000046;
	[dreg:$0x1] =	wrdreg $0xFFFFFFFF  }
0xa8: {  	s28 =	simm.s32 $_size_execute0_lowered;
	s4 =	sadd.s32 s4, s6;
	[dreg:$0x0] =	wrdreg $0x0  }
0xa9: {  	s6 =	sshll.u32 s28, $0x1;
	[dreg:$0x2] =	wrdreg s4  }
0xaa: {  	[dreg:$0x3] =	wrdreg s6  }
0xab: {  	[dreg:$0x4] =	wrdreg $0xC0  }
0xac: {  	_ =	task [dreg:s8], $0x5FFFF  }
0xad: {  	[dreg:$0x1] =	wrdreg $0xFFFFFFFF  }
0xae: {  	[dreg:$0x0] =	wrdreg $0x60  }
0xaf: {  	[dreg:$0x2] =	wrdreg s18  }
0xb0: {  	[dreg:$0x3] =	wrdreg s2  }
0xb1: {  	[dreg:$0x4] =	wrdreg s24  }
0xb2: {  	[dreg:$0x5] =	wrdreg $0x9  }
0xb3: {  	_ =	task.clear_ibuf [dreg:s8], $0x6FFFF;
	_ =	strace $0x90000046  }
0xb4: {  	s29 =	simm.s32 $0x9;
	_ =	strace $0x80000048  }
0xb5: {  	_ =	swait.ge [sflag:s29], $0x1  }
0xb6: {  	[sflag:s29] =	ssyncadd.s32 $0xFFFFFFFF  }
0xb7: {  	_ =	strace $0x90000048  }
0xb8: {  	_ =	sfence  }
0xb9: {  	s30 =	sld [smem:$0x0];
	_ =	sdelay $0x2  }
0xba: {  	s31 =	sshll.u32 s1, $0xD;
	s1 =	sshrl.u32 s1, $0x2  }
0xbb: {  	s3 =	sand.u32 $0x4000, s31;
	s1 =	sadd.s32 s1, s30  }
0xbc: {  	s0 =	sor.u32 s3, s0;
	s1 =	sshll.u32 s1, $0x11  }
0xbd: {  	s0 =	sor.u32 s1, s0  }
0xbe: {  	s0 =	sadd.s32 $0x8F2B, s0  }
0xbf: {  	[sflag:s0] =	ssyncadd.remote.s32 $0x1  }
0xc0: {  	_ =	sfence.sel $0xFFFF  }
0xc1: {  	[dreg:$0x0] =	wrdreg $0xFFFFFFFF;
	(pc) =	sbr.abs _section_cstart, $3  }
0xc2: {  	[dreg:$0x1] =	wrdreg $0xFFFFFFFF  }
0xc3: {  	_ =	task.clear_ibuf [dreg:s8], $0x2FFFF;
	_ =	strace $0x9FFFFFFF  }
0xc4: {  	(tm) =	ssettm $0x7FFFFFFF  }
0xc5: {  	_ =	shalt  }
tec
execute0_lowered:
.L_overlay_start_1:
0x0: {  	(tag) =	ssettag $0x1  }
0x1: {  	s1 =	rddreg [dreg:$0x0]  }
0x2: {  	s2 =	rddreg [dreg:$0x1]  }
0x3: {  	s4 =	rddreg [dreg:$0x2]  }
0x4: {  	s0 =	rddreg [dreg:$0x3]  }
0x5: {  	s3 =	simm.s32 $0x0;
	s5 =	srdreg.scid;
	v0 =	vlaneseq.u32;
	s9 =	simm.s32 $0x100  }
0x6: {  	s10 =	simm.s32 $0x4100;
	s11 =	simm.s32 $0x0;
	s6 =	sand.u32 $0x1, s5;
	v1 =	vor.u32 $0x10, v0;
	v2 =	vor.u32 $0x20, v0;
	v3 =	vor.u32 $0x30, v0  }
0x7: {  	[smem:$0x7FF] =	sst s3;
	s5 =	sadd.s32 $0x400, s4;
	v4 =	vor.u32 $0x40, v0;
	v5 =	vor.u32 $0x50, v0;
	v6 =	vor.u32 $0x60, v0;
	s7 =	ssub.s32 $0x2, s6  }
0x8: {  	s4 =	stileid.u32;
	v7 =	vor.u32 $0x70, v0;
	v8 =	vor.u32 $0x80, v0;
	v9 =	vor.u32 $0x90, v0;
	_ =	strace $0x80000047;
	s8 =	sshrl.u32 s7, $0x1  }
0x9: {  	v10 =	vor.u32 $0xA0, v0;
	v11 =	vor.u32 $0xB0, v0;
	v12 =	vor.u32 $0xC0, v0;
	s31 =	sshll.u32 s4, $0xF;
	s6 =	sshll.u32 s6, $0xE;
	s7 =	ssub.s32 s7, s8  }
0xa: {  	v13 =	vor.u32 $0xD0, v0;
	v14 =	vor.u32 $0xE0, v0;
	v15 =	vor.u32 $0xF0, v0;
	s6 =	sor.u32 s6, s31;
	s8 =	simm.s32 $0x1;
	s7 =	smax.u32 s7, $0x1  }
.LBB2_1:
0xb: {  	[tilespmem:s3], [sflag:$0x1] =	stream.linear.gather [hbm4b:s2+s3], $0x100, $0x38;
	[tilespmem:$0x8100] =	vst v63  }
0xc: {  	_ =	swait.ge [sflag:s8], $0x100  }
0xd: {  	[sflag:s8] =	ssyncset.done $0x0  }
0xe: {  	[sflag:s8] =	ssyncadd.s32 $0xFFFFFF00  }
0xf: {  	v16 =	vld [tilespmem:$0x0]  }
0x10: {  	v17 =	vld [tilespmem:$0x10]  }
0x11: {  	v18 =	vld [tilespmem:$0x20]  }
0x12: {  	v19 =	vld [tilespmem:$0x30]  }
0x13: {  	v20 =	vld [tilespmem:$0x40]  }
0x14: {  	v21 =	vld [tilespmem:$0x50]  }
0x15: {  	v22 =	vld [tilespmem:$0x60]  }
0x16: {  	v23 =	vld [tilespmem:$0x70]  }
0x17: {  	v24 =	vld [tilespmem:$0x80]  }
0x18: {  	v25 =	vld [tilespmem:$0x90]  }
0x19: {  	v26 =	vld [tilespmem:$0xA0]  }
0x1a: {  	v27 =	vld [tilespmem:$0xB0]  }
0x1b: {  	v28 =	vld [tilespmem:$0xC0]  }
0x1c: {  	v29 =	vld [tilespmem:$0xD0]  }
0x1d: {  	v30 =	vld [tilespmem:$0xE0]  }
0x1e: {  	s12 =	simm.s32 $0x0;
	v31 =	vld [tilespmem:$0xF0]  }
.LBB2_2:
0x1f: {  	s13 =	sshll.u32 s12, $0xB  }
0x20: {  	s15 =	simm.s32 $0x0;
	s13 =	sadd.s32 s6, s13  }
0x21: {  	v32 =	vadd.s32 s15, v16;
	s14 =	sadd.s32 s1, s13  }
0x22: {  	[tilespmem:s9], [sflag:$0x1] =	stream.linear.gather [hbm4b:s14+s15], $0x4000, $0x38;
	[tilespmem:$0x8100] =	vst v63  }
0x23: {  	_ =	swait.ge [sflag:s8], $0x4000  }
0x24: {  	[sflag:s8] =	ssyncset.done $0x0  }
0x25: {  	[sflag:s8] =	ssyncadd.s32 $0xFFFFC000  }
0x26: {  	v33 =	vor.u32 s15, v0;
	v32 =	vld.idx.msk [tilespmem:v32+s9+$0x0], $0xffff  }
0x27: {  	v34 =	vadd.s32 s15, v17;
	_ =	sdelay $0x3  }
0x28: {  	[tilespmem:v33+s10+$0x0] =	vst.idx.msk $0xffff, v32  }
0x29: {  	v36 =	vor.u32 s15, v1;
	v32 =	vld.idx.msk [tilespmem:v34+s9+$0x0], $0xffff  }
0x2a: {  	v37 =	vadd.s32 s15, v18;
	_ =	sdelay $0x3  }
0x2b: {  	[tilespmem:v36+s10+$0x0] =	vst.idx.msk $0xffff, v32  }
0x2c: {  	v38 =	vor.u32 s15, v2;
	v32 =	vld.idx.msk [tilespmem:v37+s9+$0x0], $0xffff  }
0x2d: {  	v39 =	vadd.s32 s15, v19;
	_ =	sdelay $0x3  }
0x2e: {  	[tilespmem:v38+s10+$0x0] =	vst.idx.msk $0xffff, v32  }
0x2f: {  	v40 =	vor.u32 s15, v3;
	v32 =	vld.idx.msk [tilespmem:v39+s9+$0x0], $0xffff  }
0x30: {  	v41 =	vadd.s32 s15, v20;
	_ =	sdelay $0x3  }
0x31: {  	[tilespmem:v40+s10+$0x0] =	vst.idx.msk $0xffff, v32  }
0x32: {  	v42 =	vor.u32 s15, v4;
	v32 =	vld.idx.msk [tilespmem:v41+s9+$0x0], $0xffff  }
0x33: {  	v43 =	vadd.s32 s15, v21;
	_ =	sdelay $0x3  }
0x34: {  	[tilespmem:v42+s10+$0x0] =	vst.idx.msk $0xffff, v32  }
0x35: {  	v44 =	vor.u32 s15, v5;
	v32 =	vld.idx.msk [tilespmem:v43+s9+$0x0], $0xffff  }
0x36: {  	v45 =	vadd.s32 s15, v22;
	_ =	sdelay $0x3  }
0x37: {  	[tilespmem:v44+s10+$0x0] =	vst.idx.msk $0xffff, v32  }
0x38: {  	v46 =	vor.u32 s15, v6;
	v32 =	vld.idx.msk [tilespmem:v45+s9+$0x0], $0xffff  }
0x39: {  	v47 =	vadd.s32 s15, v23;
	_ =	sdelay $0x3  }
0x3a: {  	[tilespmem:v46+s10+$0x0] =	vst.idx.msk $0xffff, v32  }
0x3b: {  	v48 =	vor.u32 s15, v7;
	v32 =	vld.idx.msk [tilespmem:v47+s9+$0x0], $0xffff  }
0x3c: {  	v49 =	vadd.s32 s15, v24;
	_ =	sdelay $0x3  }
0x3d: {  	[tilespmem:v48+s10+$0x0] =	vst.idx.msk $0xffff, v32  }
0x3e: {  	v50 =	vor.u32 s15, v8;
	v32 =	vld.idx.msk [tilespmem:v49+s9+$0x0], $0xffff  }
0x3f: {  	v51 =	vadd.s32 s15, v25;
	_ =	sdelay $0x3  }
0x40: {  	[tilespmem:v50+s10+$0x0] =	vst.idx.msk $0xffff, v32  }
0x41: {  	v52 =	vor.u32 s15, v9;
	v32 =	vld.idx.msk [tilespmem:v51+s9+$0x0], $0xffff  }
0x42: {  	v53 =	vadd.s32 s15, v26;
	_ =	sdelay $0x3  }
0x43: {  	[tilespmem:v52+s10+$0x0] =	vst.idx.msk $0xffff, v32  }
0x44: {  	v54 =	vor.u32 s15, v10;
	v32 =	vld.idx.msk [tilespmem:v53+s9+$0x0], $0xffff  }
0x45: {  	v55 =	vadd.s32 s15, v27;
	_ =	sdelay $0x3  }
0x46: {  	[tilespmem:v54+s10+$0x0] =	vst.idx.msk $0xffff, v32  }
0x47: {  	v56 =	vor.u32 s15, v11;
	v32 =	vld.idx.msk [tilespmem:v55+s9+$0x0], $0xffff  }
0x48: {  	v57 =	vadd.s32 s15, v28;
	_ =	sdelay $0x3  }
0x49: {  	[tilespmem:v56+s10+$0x0] =	vst.idx.msk $0xffff, v32  }
0x4a: {  	v58 =	vor.u32 s15, v12;
	v32 =	vld.idx.msk [tilespmem:v57+s9+$0x0], $0xffff  }
0x4b: {  	v59 =	vadd.s32 s15, v29;
	_ =	sdelay $0x3  }
0x4c: {  	[tilespmem:v58+s10+$0x0] =	vst.idx.msk $0xffff, v32  }
0x4d: {  	v60 =	vor.u32 s15, v13;
	v32 =	vld.idx.msk [tilespmem:v59+s9+$0x0], $0xffff  }
0x4e: {  	v61 =	vadd.s32 s15, v30;
	_ =	sdelay $0x3  }
0x4f: {  	[tilespmem:v60+s10+$0x0] =	vst.idx.msk $0xffff, v32  }
0x50: {  	v62 =	vor.u32 s15, v14;
	v32 =	vld.idx.msk [tilespmem:v61+s9+$0x0], $0xffff  }
0x51: {  	v63 =	vadd.s32 s15, v31;
	_ =	sdelay $0x3  }
0x52: {  	[tilespmem:v62+s10+$0x0] =	vst.idx.msk $0xffff, v32  }
0x53: {  	s14 =	simm.s32 $0x100;
	v33 =	vor.u32 s15, v15;
	v32 =	vld.idx.msk [tilespmem:v63+s9+$0x0], $0xffff  }
0x54: {  	s15 =	simm.s32 $0x200;
	v34 =	vadd.s32 s14, v16  }
.LBB2_3:
0x55: {  	p0 =	sne.s32 s15, $0x3F00;
	_ =	sdelay $0x2  }
0x56: {  	[tilespmem:v33+s10+$0x0] =	vst.idx.msk $0xffff, v32  }
0x57: {  	v32 =	vld.idx.msk [tilespmem:v34+s9+$0x0], $0xffff  }
0x58: {  	v33 =	vor.u32 s14, v0  }
0x59: {  	v34 =	vadd.s32 s14, v17;
	_ =	sdelay $0x3  }
0x5a: {  	[tilespmem:v33+s10+$0x0] =	vst.idx.msk $0xffff, v32  }
0x5b: {  	v32 =	vld.idx.msk [tilespmem:v34+s9+$0x0], $0xffff  }
0x5c: {  	v33 =	vor.u32 s14, v1  }
0x5d: {  	v34 =	vadd.s32 s14, v18;
	_ =	sdelay $0x3  }
0x5e: {  	[tilespmem:v33+s10+$0x0] =	vst.idx.msk $0xffff, v32  }
0x5f: {  	v32 =	vld.idx.msk [tilespmem:v34+s9+$0x0], $0xffff  }
0x60: {  	v33 =	vor.u32 s14, v2  }
0x61: {  	v34 =	vadd.s32 s14, v19;
	_ =	sdelay $0x3  }
0x62: {  	[tilespmem:v33+s10+$0x0] =	vst.idx.msk $0xffff, v32  }
0x63: {  	v32 =	vld.idx.msk [tilespmem:v34+s9+$0x0], $0xffff  }
0x64: {  	v33 =	vor.u32 s14, v3  }
0x65: {  	v34 =	vadd.s32 s14, v20;
	_ =	sdelay $0x3  }
0x66: {  	[tilespmem:v33+s10+$0x0] =	vst.idx.msk $0xffff, v32  }
0x67: {  	v32 =	vld.idx.msk [tilespmem:v34+s9+$0x0], $0xffff  }
0x68: {  	v33 =	vor.u32 s14, v4  }
0x69: {  	v34 =	vadd.s32 s14, v21;
	_ =	sdelay $0x3  }
0x6a: {  	[tilespmem:v33+s10+$0x0] =	vst.idx.msk $0xffff, v32  }
0x6b: {  	v32 =	vld.idx.msk [tilespmem:v34+s9+$0x0], $0xffff  }
0x6c: {  	v33 =	vor.u32 s14, v5  }
0x6d: {  	v34 =	vadd.s32 s14, v22;
	_ =	sdelay $0x3  }
0x6e: {  	[tilespmem:v33+s10+$0x0] =	vst.idx.msk $0xffff, v32  }
0x6f: {  	v32 =	vld.idx.msk [tilespmem:v34+s9+$0x0], $0xffff  }
0x70: {  	v33 =	vor.u32 s14, v6  }
0x71: {  	v34 =	vadd.s32 s14, v23;
	_ =	sdelay $0x3  }
0x72: {  	[tilespmem:v33+s10+$0x0] =	vst.idx.msk $0xffff, v32  }
0x73: {  	v32 =	vld.idx.msk [tilespmem:v34+s9+$0x0], $0xffff  }
0x74: {  	v33 =	vor.u32 s14, v7  }
0x75: {  	v34 =	vadd.s32 s14, v24;
	_ =	sdelay $0x3  }
0x76: {  	[tilespmem:v33+s10+$0x0] =	vst.idx.msk $0xffff, v32  }
0x77: {  	v32 =	vld.idx.msk [tilespmem:v34+s9+$0x0], $0xffff  }
0x78: {  	v33 =	vor.u32 s14, v8  }
0x79: {  	v34 =	vadd.s32 s14, v25;
	_ =	sdelay $0x3  }
0x7a: {  	[tilespmem:v33+s10+$0x0] =	vst.idx.msk $0xffff, v32  }
0x7b: {  	v32 =	vld.idx.msk [tilespmem:v34+s9+$0x0], $0xffff  }
0x7c: {  	v33 =	vor.u32 s14, v9  }
0x7d: {  	v34 =	vadd.s32 s14, v26;
	_ =	sdelay $0x3  }
0x7e: {  	[tilespmem:v33+s10+$0x0] =	vst.idx.msk $0xffff, v32  }
0x7f: {  	v32 =	vld.idx.msk [tilespmem:v34+s9+$0x0], $0xffff  }
0x80: {  	v33 =	vor.u32 s14, v10  }
0x81: {  	v34 =	vadd.s32 s14, v27;
	_ =	sdelay $0x3  }
0x82: {  	[tilespmem:v33+s10+$0x0] =	vst.idx.msk $0xffff, v32  }
0x83: {  	v32 =	vld.idx.msk [tilespmem:v34+s9+$0x0], $0xffff  }
0x84: {  	v33 =	vor.u32 s14, v11  }
0x85: {  	v34 =	vadd.s32 s14, v28;
	_ =	sdelay $0x3  }
0x86: {  	[tilespmem:v33+s10+$0x0] =	vst.idx.msk $0xffff, v32  }
0x87: {  	v32 =	vld.idx.msk [tilespmem:v34+s9+$0x0], $0xffff  }
0x88: {  	v33 =	vor.u32 s14, v12  }
0x89: {  	v34 =	vadd.s32 s14, v29;
	_ =	sdelay $0x3  }
0x8a: {  	[tilespmem:v33+s10+$0x0] =	vst.idx.msk $0xffff, v32  }
0x8b: {  	v32 =	vld.idx.msk [tilespmem:v34+s9+$0x0], $0xffff  }
0x8c: {  	v33 =	vor.u32 s14, v13  }
0x8d: {  	v34 =	vadd.s32 s14, v30;
	_ =	sdelay $0x3  }
0x8e: {  	[tilespmem:v33+s10+$0x0] =	vst.idx.msk $0xffff, v32  }
0x8f: {  	v32 =	vld.idx.msk [tilespmem:v34+s9+$0x0], $0xffff  }
0x90: {  	v33 =	vor.u32 s14, v14  }
0x91: {  	v34 =	vadd.s32 s14, v31;
	_ =	sdelay $0x2  }
.Ltmp0:
0x92: {  	(pc) =	sbr.rel @p0 .LBB2_3-.Ltmp0, $4  }
0x93: {  	[tilespmem:v33+s10+$0x0] =	vst.idx.msk $0xffff, v32  }
0x94: {  	v32 =	vld.idx.msk [tilespmem:v34+s9+$0x0], $0xffff  }
0x95: {  	v33 =	vor.u32 s14, v15;
	s14 =	smov.u32 s15  }
0x96: {  	s15 =	sadd.s32 $0x100, s15;
	v34 =	vadd.s32 s14, v16  }
0x97: {  	_ =	sdelay $0x3  }
0x98: {  	[tilespmem:v33+s10+$0x0] =	vst.idx.msk $0xffff, v32  }
0x99: {  	v61 =	vor.u32 s14, v0;
	v32 =	vld.idx.msk [tilespmem:v34+s9+$0x0], $0xffff  }
0x9a: {  	v62 =	vadd.s32 s14, v17;
	_ =	sdelay $0x3  }
0x9b: {  	[tilespmem:v61+s10+$0x0] =	vst.idx.msk $0xffff, v32  }
0x9c: {  	v63 =	vor.u32 s14, v1;
	v32 =	vld.idx.msk [tilespmem:v62+s9+$0x0], $0xffff  }
0x9d: {  	v36 =	vadd.s32 s14, v18;
	_ =	sdelay $0x3  }
0x9e: {  	[tilespmem:v63+s10+$0x0] =	vst.idx.msk $0xffff, v32  }
0x9f: {  	v37 =	vor.u32 s14, v2;
	v32 =	vld.idx.msk [tilespmem:v36+s9+$0x0], $0xffff  }
0xa0: {  	v38 =	vadd.s32 s14, v19;
	_ =	sdelay $0x3  }
0xa1: {  	[tilespmem:v37+s10+$0x0] =	vst.idx.msk $0xffff, v32  }
0xa2: {  	v39 =	vor.u32 s14, v3;
	v32 =	vld.idx.msk [tilespmem:v38+s9+$0x0], $0xffff  }
0xa3: {  	v40 =	vadd.s32 s14, v20;
	_ =	sdelay $0x3  }
0xa4: {  	[tilespmem:v39+s10+$0x0] =	vst.idx.msk $0xffff, v32  }
0xa5: {  	v41 =	vor.u32 s14, v4;
	v32 =	vld.idx.msk [tilespmem:v40+s9+$0x0], $0xffff  }
0xa6: {  	v42 =	vadd.s32 s14, v21;
	_ =	sdelay $0x3  }
0xa7: {  	[tilespmem:v41+s10+$0x0] =	vst.idx.msk $0xffff, v32  }
0xa8: {  	v43 =	vor.u32 s14, v5;
	v32 =	vld.idx.msk [tilespmem:v42+s9+$0x0], $0xffff  }
0xa9: {  	v44 =	vadd.s32 s14, v22;
	_ =	sdelay $0x3  }
0xaa: {  	[tilespmem:v43+s10+$0x0] =	vst.idx.msk $0xffff, v32  }
0xab: {  	v45 =	vor.u32 s14, v6;
	v32 =	vld.idx.msk [tilespmem:v44+s9+$0x0], $0xffff  }
0xac: {  	v46 =	vadd.s32 s14, v23;
	_ =	sdelay $0x3  }
0xad: {  	[tilespmem:v45+s10+$0x0] =	vst.idx.msk $0xffff, v32  }
0xae: {  	v47 =	vor.u32 s14, v7;
	v32 =	vld.idx.msk [tilespmem:v46+s9+$0x0], $0xffff  }
0xaf: {  	v48 =	vadd.s32 s14, v24;
	_ =	sdelay $0x3  }
0xb0: {  	[tilespmem:v47+s10+$0x0] =	vst.idx.msk $0xffff, v32  }
0xb1: {  	v49 =	vor.u32 s14, v8;
	v32 =	vld.idx.msk [tilespmem:v48+s9+$0x0], $0xffff  }
0xb2: {  	v50 =	vadd.s32 s14, v25;
	_ =	sdelay $0x3  }
0xb3: {  	[tilespmem:v49+s10+$0x0] =	vst.idx.msk $0xffff, v32  }
0xb4: {  	v51 =	vor.u32 s14, v9;
	v32 =	vld.idx.msk [tilespmem:v50+s9+$0x0], $0xffff  }
0xb5: {  	v52 =	vadd.s32 s14, v26;
	_ =	sdelay $0x3  }
0xb6: {  	[tilespmem:v51+s10+$0x0] =	vst.idx.msk $0xffff, v32  }
0xb7: {  	v53 =	vor.u32 s14, v10;
	v32 =	vld.idx.msk [tilespmem:v52+s9+$0x0], $0xffff  }
0xb8: {  	v54 =	vadd.s32 s14, v27;
	_ =	sdelay $0x3  }
0xb9: {  	[tilespmem:v53+s10+$0x0] =	vst.idx.msk $0xffff, v32  }
0xba: {  	v55 =	vor.u32 s14, v11;
	v32 =	vld.idx.msk [tilespmem:v54+s9+$0x0], $0xffff  }
0xbb: {  	v56 =	vadd.s32 s14, v28;
	_ =	sdelay $0x3  }
0xbc: {  	[tilespmem:v55+s10+$0x0] =	vst.idx.msk $0xffff, v32  }
0xbd: {  	v57 =	vor.u32 s14, v12;
	v32 =	vld.idx.msk [tilespmem:v56+s9+$0x0], $0xffff  }
0xbe: {  	v58 =	vadd.s32 s14, v29;
	_ =	sdelay $0x3  }
0xbf: {  	[tilespmem:v57+s10+$0x0] =	vst.idx.msk $0xffff, v32  }
0xc0: {  	v59 =	vor.u32 s14, v13;
	v32 =	vld.idx.msk [tilespmem:v58+s9+$0x0], $0xffff  }
0xc1: {  	v60 =	vadd.s32 s14, v30;
	_ =	sdelay $0x3  }
0xc2: {  	[tilespmem:v59+s10+$0x0] =	vst.idx.msk $0xffff, v32  }
0xc3: {  	v61 =	vor.u32 s14, v14;
	v32 =	vld.idx.msk [tilespmem:v60+s9+$0x0], $0xffff  }
0xc4: {  	v62 =	vadd.s32 s14, v31;
	_ =	sdelay $0x3  }
0xc5: {  	[tilespmem:v61+s10+$0x0] =	vst.idx.msk $0xffff, v32  }
0xc6: {  	v63 =	vor.u32 s14, v15;
	v32 =	vld.idx.msk [tilespmem:v62+s9+$0x0], $0xffff;
	_ =	sdelay $0x2  }
0xc7: {  	s12 =	sadd.s32 $0x1, s12  }
0xc8: {  	p0 =	sne.s32 s12, $0x8  }
.Ltmp1:
0xc9: {  	s13 =	sadd.s32 s5, s13;
	[tilespmem:v63+s10+$0x0] =	vst.idx.msk $0xffff, v32;
	(pc) =	sbr.rel @p0 .LBB2_2-.Ltmp1, $4  }
0xca: {  	[hbm4b:s13+s3] =	stream.linear.scatter [tilespmem:s10], [sflag:$0x1], $0x4000, $0x38;
	[tilespmem:$0x8100] =	vst v63  }
0xcb: {  	_ =	swait.ge [sflag:s8], $0x4000  }
0xcc: {  	[sflag:s8] =	ssyncset.done $0x0  }
0xcd: {  	[sflag:s8] =	ssyncadd.s32 $0xFFFFC000  }
0xce: {  	s11 =	sadd.s32 $0x1, s11  }
0xcf: {  	p0 =	sne.s32 s11, s7  }
.Ltmp2:
0xd0: {  	_ = 	snop;
	(pc) =	sbr.rel @p0 .LBB2_1-.Ltmp2, $1  }
0xd1: {  	_ =	sdelay $0x3  }
0xd2: {  	_ =	sfence.sel $0x180000  }
0xd3: {  	[bflag:$0x0] =	sbarrier.arrive $0xFFFF  }
0xd4: {  	p0 =	sne.s32 s4, $0x0;
	_ =	strace $0x90000047  }
0xd5: {  	s0 =	sadd.s32 @!p0 $0x100000, s0;
	[bflag:$0x2] =	sbarrier.arrive $0xFFFF  }
0xd6: {  	[sflag:s0] =	ssyncadd.tile.s32 @!p0 $0x1;
	_ =	shalt  }
.Lfunc_end2:
_tile_overlayer_lowered:
.L_overlay_start_2:
0xd7: {  	(tag) =	ssettag $0x2  }
0xd8: {  	s0 =	rddreg [dreg:$0x0];
	s2 =	stileid.u32  }
0xd9: {  	s1 =	rddreg [dreg:$0x1];
	p0 =	sne.s32 s2, $0x0  }
0xda: {  	s3 =	rddreg [dreg:$0x2];
	[bflag:$0x3] =	sbarrier.arrive $0xFFFF;
	s2 =	simm.s32 @!p0 $0x1C01  }
0xdb: {  	[timem:s3], [sflag:s2] =	dma.local @!p0 [hbm:s0], s1  }
0xdc: {  	s0 =	simm.s32 @!p0 $0x1  }
0xdd: {  	_ =	swait.ge @!p0 [sflag:s0], s1  }
0xde: {  	s1 =	ssub.s32 @!p0 $0x0, s1;
	[sflag:s0] =	ssyncset.done @!p0 $0x0  }
0xdf: {  	[sflag:s0] =	ssyncadd.s32 @!p0 s1  }
0xe0: {  	[bflag:$0x3] =	sbarrier.arrive $0xFFFF  }
0xe1: {  	_ =	shalt  }

</sc_bundles>
